<compile_context>
chip_gen: v7x
topology: tpu7x:2x2x1
jax: 0.10.2.dev20260603
libtpu: 0.0.44.dev20260713+nightly
codegen_flags: <defaults>
</compile_context>

<pallas_src>
import functools

import jax
import jax.numpy as jnp
from jax import lax
from jax.experimental import pallas as pl
from jax.experimental.pallas import tpu as pltpu
from jax.experimental.pallas import tpu_sc as plsc



_NUM_CORES = 2
_NUM_SUBCORES = 16
_LANES = 16


@functools.lru_cache(maxsize=None)
def _build_adj_fn(n_nodes: int, n_edges: int):
    n_workers = _NUM_CORES * _NUM_SUBCORES
    rows = n_nodes // n_workers
    wcols = n_nodes // 2
    ech = 16384
    n_chunks = n_edges // ech
    eunroll = 8

    mesh = plsc.VectorSubcoreMesh(core_axis_name="c", subcore_axis_name="s")

    @functools.partial(
        pl.kernel,
        mesh=mesh,
        compiler_params=pltpu.CompilerParams(needs_layout_passes=False),
        out_type=jax.ShapeDtypeStruct((n_nodes, wcols), jnp.int32),
        scratch_types=[
            pltpu.VMEM((rows + 1, wcols), jnp.int32),
            pltpu.VMEM((ech,), jnp.int32),
            pltpu.VMEM((ech,), jnp.int32),
        ],
    )
    def build_adj(src_hbm, dst_hbm, zeros_hbm, a_hbm, acc, srcb, dstb):
        wid = lax.axis_index("s") * _NUM_CORES + lax.axis_index("c")
        row0 = wid * rows

        pltpu.sync_copy(zeros_hbm, acc)

        def chunk_body(c, _):
            pltpu.sync_copy(src_hbm.at[pl.ds(c * ech, ech)], srcb)
            pltpu.sync_copy(dst_hbm.at[pl.ds(c * ech, ech)], dstb)

            def edge_body(j, _):
                for u in range(eunroll):
                    o = (j * eunroll + u) * _LANES
                    sv = srcb[pl.ds(o, _LANES)]
                    dv = dstb[pl.ds(o, _LANES)]
                    rel = (dv - row0).astype(jnp.uint32)
                    row = jnp.minimum(rel, jnp.uint32(rows)).astype(jnp.int32)
                    wcol = sv & (wcols - 1)
                    add = jnp.where(sv < wcols, 1, 65536)
                    plsc.addupdate_scatter(acc, [row, wcol], add)
                return 0

            lax.fori_loop(0, ech // (_LANES * eunroll), edge_body, 0)
            return 0

        lax.fori_loop(0, n_chunks, chunk_body, 0)
        pltpu.sync_copy(acc.at[pl.ds(0, rows)], a_hbm.at[pl.ds(row0, rows)])

    return build_adj




def _agg_kernel(a_ref, x_ref, ws_ref, wn_ref, bias_ref, g4_ref, g4t_ref,
                out_ref, ab_ref, invd_ref, o_ref):
    t = pl.program_id(0)
    nt = pl.num_programs(0) - 1
    bb = out_ref.shape[0]
    cc = out_ref.shape[3]
    nh = a_ref.shape[1]

    @pl.when(t == 0)
    def _prep():
        p = a_ref[...]
        hi = lax.shift_right_arithmetic(p, 16)
        lo = p - lax.shift_left(hi, 16)
        abe = lo.astype(jnp.float32).astype(jnp.bfloat16)
        abo = hi.astype(jnp.float32).astype(jnp.bfloat16)
        ab_ref[:, :nh] = abe
        ab_ref[:, nh:] = abo
        deg = lax.dot_general(
            abe + abo, jnp.ones((nh, 8), jnp.bfloat16),
            (((1,), (0,)), ((), ())), preferred_element_type=jnp.float32)
        invd_ref[...] = 1.0 / jnp.maximum(deg[:, :1], 1.0)

    @pl.when(t > 0)
    def _flush():
        for bi in range(bb):
            out_ref[bi, 0] = o_ref[:, bi * cc:(bi + 1) * cc]

    @pl.when(t < nt)
    def _compute():
        x = x_ref[0]
        agg = lax.dot_general(ab_ref[...], x, (((1,), (0,)), ((), ())),
                              preferred_element_type=jnp.float32)
        s = (agg * invd_ref[...]).astype(jnp.bfloat16)
        hs = lax.dot_general(x, ws_ref[...], (((1,), (0,)), ((), ())),
                             preferred_element_type=jnp.float32)
        hn = lax.dot_general(s, wn_ref[...], (((1,), (0,)), ((), ())),
                             preferred_element_type=jnp.float32)
        h = hs + hn + bias_ref[...]
        n2 = lax.dot_general(h * h, g4_ref[...], (((1,), (0,)), ((), ())),
                             preferred_element_type=jnp.float32)
        r = 1.0 / jnp.maximum(jnp.sqrt(n2), 1e-12)
        d = lax.dot_general(r, g4t_ref[...], (((1,), (0,)), ((), ())),
                            preferred_element_type=jnp.float32)
        o_ref[...] = jnp.maximum(h * d, 0.0)


def kernel(blocks, node_feats, edge_feats, W_self, W_neigh, b):
    del edge_feats
    bn, nn, tn, cin = node_feats.shape
    cout = W_self.shape[1]
    en = blocks.shape[1]
    bc = bn * cout
    nh = nn // 2

    src = blocks[0].astype(jnp.int32)
    dst = blocks[1].astype(jnp.int32)
    n_workers = _NUM_CORES * _NUM_SUBCORES
    zeros_acc = jnp.zeros((nn // n_workers + 1, nh), jnp.int32)
    adj = _build_adj_fn(nn, en)(src, dst, zeros_acc)

    xs = jnp.transpose(node_feats, (2, 1, 0, 3)).reshape(tn, nn, bc)
    xs = xs.astype(jnp.bfloat16)
    eye_b = jnp.eye(bn, dtype=jnp.float32)
    ws4 = jnp.kron(eye_b, W_self).astype(jnp.bfloat16)
    wn4 = jnp.kron(eye_b, W_neigh).astype(jnp.bfloat16)
    g4 = jnp.kron(eye_b, jnp.ones((cout, 1), jnp.float32))
    g4t = jnp.kron(eye_b, jnp.ones((1, cout), jnp.float32))
    bias_row = jnp.tile(b, bn)[None, :]

    tmax = tn - 1
    h = pl.pallas_call(
        _agg_kernel,
        grid=(tn + 1,),
        in_specs=[
            pl.BlockSpec((nn, nh), lambda t: (0, 0)),
            pl.BlockSpec((1, nn, bc), lambda t: (jnp.minimum(t, tmax), 0, 0)),
            pl.BlockSpec((bc, bc), lambda t: (0, 0)),
            pl.BlockSpec((bc, bc), lambda t: (0, 0)),
            pl.BlockSpec((1, bc), lambda t: (0, 0)),
            pl.BlockSpec((bc, bn), lambda t: (0, 0)),
            pl.BlockSpec((bn, bc), lambda t: (0, 0)),
        ],
        out_specs=pl.BlockSpec(
            (bn, 1, nn, cout),
            lambda t: (0, jnp.maximum(t, 1) - 1, 0, 0)),
        out_shape=jax.ShapeDtypeStruct((bn, tn, nn, cout), jnp.float32),
        scratch_shapes=[
            pltpu.VMEM((nn, nn), jnp.bfloat16),
            pltpu.VMEM((nn, 1), jnp.float32),
            pltpu.VMEM((nn, bc), jnp.float32),
        ],
    )(adj, xs, ws4, wn4, bias_row, g4, g4t)

    return jnp.transpose(h, (0, 2, 1, 3))

# --- scband reference (transcript-rebuilt; emitter-appended) ---
"""Pipeline reference for scband-gcnblock-33852932227161 (READ-ONLY COPY).

The authoritative reference and input builder live on the scoring server;
editing this copy changes nothing except your own understanding.
"""

import jax, jax.numpy as jnp
import numpy as np

B, N, T, C_IN, C_OUT, E, D_EDGE = 4, 2048, 12, 64, 64, 32768, 16

def setup_inputs(seed: int = 0):
    key = jax.random.key(seed)
    k1, k2, k3, k4, k5 = jax.random.split(key, 5)
    blocks = jax.random.randint(k1, (2, E), 0, N)
    node_feats = jax.random.normal(k2, (B, N, T, C_IN), dtype=jnp.float32)
    edge_feats = jax.random.normal(k3, (E, D_EDGE), dtype=jnp.float32)
    W_self = jax.random.normal(k4, (C_IN, C_OUT), dtype=jnp.float32) * (1.0 / np.sqrt(C_IN))
    W_neigh = jax.random.normal(k5, (C_IN, C_OUT), dtype=jnp.float32) * (1.0 / np.sqrt(C_IN))
    b = jnp.zeros((C_OUT,), dtype=jnp.float32)
    return {"blocks": blocks, "node_feats": node_feats, "edge_feats": edge_feats, "W_self": W_self, "W_neigh": W_neigh, "b": b}

def reference(blocks, node_feats, edge_feats, W_self, W_neigh, b):
    # GCNBlock.forward: permute [B,N,T,C] -> [B,T,N,C] -> view [B*T, N, C]
    Bn, Nn, Tn, Cn = node_feats.shape
    t1 = jnp.transpose(node_feats, (0, 2, 1, 3)).reshape(Bn * Tn, Nn, Cn)
    src = blocks[0]
    dst = blocks[1]
    # GraphSAGE mean aggregation (SAGENet): gather messages from src, scatter-add to dst
    msgs = t1[:, src, :]                                   # [B*T, E, C]
    agg = jnp.zeros((Bn * Tn, Nn, Cn), dtype=t1.dtype).at[:, dst, :].add(msgs)
    deg = jnp.zeros((Nn,), dtype=t1.dtype).at[dst].add(1.0)
    mean_nb = agg / jnp.clip(deg, 1.0, None)[None, :, None]
    h = t1 @ W_self + mean_nb @ W_neigh + b                # [B*T, N, C_OUT]
    # normalize=True -> L2 normalize output features (PyG SAGEConv semantics)
    h = h / jnp.clip(jnp.linalg.norm(h, axis=-1, keepdims=True), 1e-12, None)
    t2 = jax.nn.relu(h)
    out = t2.reshape(Bn, Tn, Nn, t2.shape[-1])
    out = jnp.transpose(out, (0, 2, 1, 3))                 # [B, N, T, C_OUT]
    return out

if __name__ == "__main__":
    import jax
    _d = setup_inputs()
    print(jax.jit(kernel)(*tuple(_d.values())))

</pallas_src>

<mosaic_0001>
#map = affine_map<(d0, d1) -> (0)>
#map1 = affine_map<(d0, d1) -> (0, 0)>
module attributes {stable_mosaic.version = 14 : i64} {
  func.func @build_adj(%arg0: i32, %arg1: i32, %arg2: memref<32768xi32, #tpu.memory_space<hbm>>, %arg3: memref<32768xi32, #tpu.memory_space<hbm>>, %arg4: memref<65x1024xi32, #tpu.memory_space<hbm>>, %arg5: memref<2048x1024xi32, #tpu.memory_space<hbm>>, %arg6: memref<65x1024xi32, #tpu.memory_space<vmem>>, %arg7: memref<16384xi32, #tpu.memory_space<vmem>>, %arg8: memref<16384xi32, #tpu.memory_space<vmem>>) attributes {dimension_semantics = [#tpu.dimension_semantics<core_parallel>, #tpu.dimension_semantics<subcore_parallel>], iteration_bounds = array<i64: 2, 16>, scalar_prefetch = 0 : i64, scratch_operands = 3 : i64, tpu.core_type = #tpu.core_type<sc_vector_subcore>, window_params = [{transform_indices = #map}, {transform_indices = #map}, {transform_indices = #map1}, {transform_indices = #map1}]} {
    %mul3A = arith.constant 2 : i32
    %mul3A_0 = arith.muli %arg1, %mul3A : i32
    %add3A = arith.addi %mul3A_0, %arg0 : i32
    %mul3A_1 = arith.constant 64 : i32
    %mul3A_2 = arith.muli %add3A, %mul3A_1 : i32
    "tpu.region"() ({
      %run_scoped3A = tpu.sem_alloc : memref<!tpu.dma_semaphore, #tpu.memory_space<semaphore_mem>>
      tpu.enqueue_dma source(%arg4 : memref<65x1024xi32, #tpu.memory_space<hbm>>) target(%arg6 : memref<65x1024xi32, #tpu.memory_space<vmem>>) target_semaphore(%run_scoped3A : memref<!tpu.dma_semaphore, #tpu.memory_space<semaphore_mem>>)
      tpu.wait_dma2 semaphore(%run_scoped3A : memref<!tpu.dma_semaphore, #tpu.memory_space<semaphore_mem>>) src(%arg4 : memref<65x1024xi32, #tpu.memory_space<hbm>>) dst(%arg6 : memref<65x1024xi32, #tpu.memory_space<vmem>>)
      tpu.yield
    }) : () -> ()
    %scan3A = arith.constant 0 : i32
    %scan3A_3 = arith.constant 0 : i32
    %scan3A_4 = arith.constant 2 : i32
    %scan3A_5 = arith.addi %scan3A_3, %scan3A_4 : i32
    %scan3A_6 = arith.constant 1 : i32
    %scan3A_7 = scf.for %scan3A_9 = %scan3A_3 to %scan3A_5 step %scan3A_6 iter_args(%scan3A_10 = %scan3A) -> (i32)  : i32 {
      %mul3A_11 = arith.constant 16384 : i32
      %mul3A_12 = arith.muli %scan3A_9, %mul3A_11 : i32
      "tpu.region"() ({
        %run_scoped3A = tpu.sem_alloc : memref<!tpu.dma_semaphore, #tpu.memory_space<semaphore_mem>>
        %dma_start3A = tpu.memref_slice %arg2[%mul3A_12] : memref<32768xi32, #tpu.memory_space<hbm>> -> memref<16384xi32, #tpu.memory_space<hbm>>
        %dma_start3A_23 = tpu.memref_slice %arg2[%mul3A_12] : memref<32768xi32, #tpu.memory_space<hbm>> -> memref<16384xi32, #tpu.memory_space<hbm>>
        tpu.enqueue_dma source(%dma_start3A_23 : memref<16384xi32, #tpu.memory_space<hbm>>) target(%arg7 : memref<16384xi32, #tpu.memory_space<vmem>>) target_semaphore(%run_scoped3A : memref<!tpu.dma_semaphore, #tpu.memory_space<semaphore_mem>>)
        %dma_wait3A = tpu.memref_slice %arg2[%mul3A_12] : memref<32768xi32, #tpu.memory_space<hbm>> -> memref<16384xi32, #tpu.memory_space<hbm>>
        %dma_wait3A_24 = tpu.memref_slice %arg2[%mul3A_12] : memref<32768xi32, #tpu.memory_space<hbm>> -> memref<16384xi32, #tpu.memory_space<hbm>>
        tpu.wait_dma2 semaphore(%run_scoped3A : memref<!tpu.dma_semaphore, #tpu.memory_space<semaphore_mem>>) src(%dma_wait3A_24 : memref<16384xi32, #tpu.memory_space<hbm>>) dst(%arg7 : memref<16384xi32, #tpu.memory_space<vmem>>)
        tpu.yield
      }) : () -> ()
      %mul3A_13 = arith.constant 16384 : i32
      %mul3A_14 = arith.muli %scan3A_9, %mul3A_13 : i32
      "tpu.region"() ({
        %run_scoped3A = tpu.sem_alloc : memref<!tpu.dma_semaphore, #tpu.memory_space<semaphore_mem>>
        %dma_start3A = tpu.memref_slice %arg3[%mul3A_14] : memref<32768xi32, #tpu.memory_space<hbm>> -> memref<16384xi32, #tpu.memory_space<hbm>>
        %dma_start3A_23 = tpu.memref_slice %arg3[%mul3A_14] : memref<32768xi32, #tpu.memory_space<hbm>> -> memref<16384xi32, #tpu.memory_space<hbm>>
        tpu.enqueue_dma source(%dma_start3A_23 : memref<16384xi32, #tpu.memory_space<hbm>>) target(%arg8 : memref<16384xi32, #tpu.memory_space<vmem>>) target_semaphore(%run_scoped3A : memref<!tpu.dma_semaphore, #tpu.memory_space<semaphore_mem>>)
        %dma_wait3A = tpu.memref_slice %arg3[%mul3A_14] : memref<32768xi32, #tpu.memory_space<hbm>> -> memref<16384xi32, #tpu.memory_space<hbm>>
        %dma_wait3A_24 = tpu.memref_slice %arg3[%mul3A_14] : memref<32768xi32, #tpu.memory_space<hbm>> -> memref<16384xi32, #tpu.memory_space<hbm>>
        tpu.wait_dma2 semaphore(%run_scoped3A : memref<!tpu.dma_semaphore, #tpu.memory_space<semaphore_mem>>) src(%dma_wait3A_24 : memref<16384xi32, #tpu.memory_space<hbm>>) dst(%arg8 : memref<16384xi32, #tpu.memory_space<vmem>>)
        tpu.yield
      }) : () -> ()
      %scan3A_15 = arith.constant 0 : i32
      %scan3A_16 = arith.constant 0 : i32
      %scan3A_17 = arith.constant 128 : i32
      %scan3A_18 = arith.addi %scan3A_16, %scan3A_17 : i32
      %scan3A_19 = arith.constant 1 : i32
      %scan3A_20 = scf.for %scan3A_23 = %scan3A_16 to %scan3A_18 step %scan3A_19 iter_args(%scan3A_24 = %scan3A_15) -> (i32)  : i32 {
        %mul3A_25 = arith.constant 8 : i32
        %mul3A_26 = arith.muli %scan3A_23, %mul3A_25 : i32
        %add3A_27 = arith.constant 0 : i32
        %add3A_28 = arith.addi %mul3A_26, %add3A_27 : i32
        %mul3A_29 = arith.constant 16 : i32
        %mul3A_30 = arith.muli %add3A_28, %mul3A_29 : i32
        %get3A = arith.index_cast %mul3A_30 : i32 to index
        %get3A_31 = tpu.vector_load %arg7[%get3A] {strides = array<i32>} : memref<16384xi32, #tpu.memory_space<vmem>>, vector<16xi32>,
        %get3A_32 = arith.index_cast %mul3A_30 : i32 to index
        %get3A_33 = tpu.vector_load %arg8[%get3A_32] {strides = array<i32>} : memref<16384xi32, #tpu.memory_space<vmem>>, vector<16xi32>,
        %sub3A = vector.broadcast %mul3A_2 : i32 to vector<16xi32>
        %sub3A_34 = arith.subi %get3A_33, %sub3A : vector<16xi32>
        %min3A = arith.constant 64 : i32
        %min3A_35 = vector.broadcast %min3A : i32 to vector<16xi32>
        %min3A_36 = arith.minui %sub3A_34, %min3A_35 : vector<16xi32>
        %and3A = arith.constant 1023 : i32
        %and3A_37 = vector.broadcast %and3A : i32 to vector<16xi32>
        %and3A_38 = arith.andi %get3A_31, %and3A_37 : vector<16xi32>
        %lt3A = arith.constant 1024 : i32
        %lt3A_39 = vector.broadcast %lt3A : i32 to vector<16xi32>
        %lt3A_40 = arith.cmpi slt, %get3A_31, %lt3A_39 : vector<16xi32>
        %jit3A = arith.constant 1 : i32
        %jit3A_41 = arith.constant 65536 : i32
        %broadcast_in_dim3A = vector.broadcast %jit3A : i32 to vector<16xi32>
        %broadcast_in_dim3A_42 = vector.broadcast %jit3A_41 : i32 to vector<16xi32>
        %select_n3A = arith.select %lt3A_40, %broadcast_in_dim3A, %broadcast_in_dim3A_42 : vector<16xi1>, vector<16xi32>
        tpu.vector_store_idx %arg6[%min3A_36, %and3A_38], %select_n3A {add = true} : memref<65x1024xi32, #tpu.memory_space<vmem>>[vector<16xi32>, vector<16xi32>], vector<16xi32>,
        %mul3A_43 = arith.constant 8 : i32
        %mul3A_44 = arith.muli %scan3A_23, %mul3A_43 : i32
        %add3A_45 = arith.constant 1 : i32
        %add3A_46 = arith.addi %mul3A_44, %add3A_45 : i32
        %mul3A_47 = arith.constant 16 : i32
        %mul3A_48 = arith.muli %add3A_46, %mul3A_47 : i32
        %get3A_49 = arith.index_cast %mul3A_48 : i32 to index
        %get3A_50 = tpu.vector_load %arg7[%get3A_49] {strides = array<i32>} : memref<16384xi32, #tpu.memory_space<vmem>>, vector<16xi32>,
        %get3A_51 = arith.index_cast %mul3A_48 : i32 to index
        %get3A_52 = tpu.vector_load %arg8[%get3A_51] {strides = array<i32>} : memref<16384xi32, #tpu.memory_space<vmem>>, vector<16xi32>,
        %sub3A_53 = vector.broadcast %mul3A_2 : i32 to vector<16xi32>
        %sub3A_54 = arith.subi %get3A_52, %sub3A_53 : vector<16xi32>
        %min3A_55 = arith.constant 64 : i32
        %min3A_56 = vector.broadcast %min3A_55 : i32 to vector<16xi32>
        %min3A_57 = arith.minui %sub3A_54, %min3A_56 : vector<16xi32>
        %and3A_58 = arith.constant 1023 : i32
        %and3A_59 = vector.broadcast %and3A_58 : i32 to vector<16xi32>
        %and3A_60 = arith.andi %get3A_50, %and3A_59 : vector<16xi32>
        %lt3A_61 = arith.constant 1024 : i32
        %lt3A_62 = vector.broadcast %lt3A_61 : i32 to vector<16xi32>
        %lt3A_63 = arith.cmpi slt, %get3A_50, %lt3A_62 : vector<16xi32>
        %jit3A_64 = arith.constant 1 : i32
        %jit3A_65 = arith.constant 65536 : i32
        %broadcast_in_dim3A_66 = vector.broadcast %jit3A_64 : i32 to vector<16xi32>
        %broadcast_in_dim3A_67 = vector.broadcast %jit3A_65 : i32 to vector<16xi32>
        %select_n3A_68 = arith.select %lt3A_63, %broadcast_in_dim3A_66, %broadcast_in_dim3A_67 : vector<16xi1>, vector<16xi32>
        tpu.vector_store_idx %arg6[%min3A_57, %and3A_60], %select_n3A_68 {add = true} : memref<65x1024xi32, #tpu.memory_space<vmem>>[vector<16xi32>, vector<16xi32>], vector<16xi32>,
        %mul3A_69 = arith.constant 8 : i32
        %mul3A_70 = arith.muli %scan3A_23, %mul3A_69 : i32
        %add3A_71 = arith.constant 2 : i32
        %add3A_72 = arith.addi %mul3A_70, %add3A_71 : i32
        %mul3A_73 = arith.constant 16 : i32
        %mul3A_74 = arith.muli %add3A_72, %mul3A_73 : i32
        %get3A_75 = arith.index_cast %mul3A_74 : i32 to index
        %get3A_76 = tpu.vector_load %arg7[%get3A_75] {strides = array<i32>} : memref<16384xi32, #tpu.memory_space<vmem>>, vector<16xi32>,
        %get3A_77 = arith.index_cast %mul3A_74 : i32 to index
        %get3A_78 = tpu.vector_load %arg8[%get3A_77] {strides = array<i32>} : memref<16384xi32, #tpu.memory_space<vmem>>, vector<16xi32>,
        %sub3A_79 = vector.broadcast %mul3A_2 : i32 to vector<16xi32>
        %sub3A_80 = arith.subi %get3A_78, %sub3A_79 : vector<16xi32>
        %min3A_81 = arith.constant 64 : i32
        %min3A_82 = vector.broadcast %min3A_81 : i32 to vector<16xi32>
        %min3A_83 = arith.minui %sub3A_80, %min3A_82 : vector<16xi32>
        %and3A_84 = arith.constant 1023 : i32
        %and3A_85 = vector.broadcast %and3A_84 : i32 to vector<16xi32>
        %and3A_86 = arith.andi %get3A_76, %and3A_85 : vector<16xi32>
        %lt3A_87 = arith.constant 1024 : i32
        %lt3A_88 = vector.broadcast %lt3A_87 : i32 to vector<16xi32>
        %lt3A_89 = arith.cmpi slt, %get3A_76, %lt3A_88 : vector<16xi32>
        %jit3A_90 = arith.constant 1 : i32
        %jit3A_91 = arith.constant 65536 : i32
        %broadcast_in_dim3A_92 = vector.broadcast %jit3A_90 : i32 to vector<16xi32>
        %broadcast_in_dim3A_93 = vector.broadcast %jit3A_91 : i32 to vector<16xi32>
        %select_n3A_94 = arith.select %lt3A_89, %broadcast_in_dim3A_92, %broadcast_in_dim3A_93 : vector<16xi1>, vector<16xi32>
        tpu.vector_store_idx %arg6[%min3A_83, %and3A_86], %select_n3A_94 {add = true} : memref<65x1024xi32, #tpu.memory_space<vmem>>[vector<16xi32>, vector<16xi32>], vector<16xi32>,
        %mul3A_95 = arith.constant 8 : i32
        %mul3A_96 = arith.muli %scan3A_23, %mul3A_95 : i32
        %add3A_97 = arith.constant 3 : i32
        %add3A_98 = arith.addi %mul3A_96, %add3A_97 : i32
        %mul3A_99 = arith.constant 16 : i32
        %mul3A_100 = arith.muli %add3A_98, %mul3A_99 : i32
        %get3A_101 = arith.index_cast %mul3A_100 : i32 to index
        %get3A_102 = tpu.vector_load %arg7[%get3A_101] {strides = array<i32>} : memref<16384xi32, #tpu.memory_space<vmem>>, vector<16xi32>,
        %get3A_103 = arith.index_cast %mul3A_100 : i32 to index
        %get3A_104 = tpu.vector_load %arg8[%get3A_103] {strides = array<i32>} : memref<16384xi32, #tpu.memory_space<vmem>>, vector<16xi32>,
        %sub3A_105 = vector.broadcast %mul3A_2 : i32 to vector<16xi32>
        %sub3A_106 = arith.subi %get3A_104, %sub3A_105 : vector<16xi32>
        %min3A_107 = arith.constant 64 : i32
        %min3A_108 = vector.broadcast %min3A_107 : i32 to vector<16xi32>
        %min3A_109 = arith.minui %sub3A_106, %min3A_108 : vector<16xi32>
        %and3A_110 = arith.constant 1023 : i32
        %and3A_111 = vector.broadcast %and3A_110 : i32 to vector<16xi32>
        %and3A_112 = arith.andi %get3A_102, %and3A_111 : vector<16xi32>
        %lt3A_113 = arith.constant 1024 : i32
        %lt3A_114 = vector.broadcast %lt3A_113 : i32 to vector<16xi32>
        %lt3A_115 = arith.cmpi slt, %get3A_102, %lt3A_114 : vector<16xi32>
        %jit3A_116 = arith.constant 1 : i32
        %jit3A_117 = arith.constant 65536 : i32
        %broadcast_in_dim3A_118 = vector.broadcast %jit3A_116 : i32 to vector<16xi32>
        %broadcast_in_dim3A_119 = vector.broadcast %jit3A_117 : i32 to vector<16xi32>
        %select_n3A_120 = arith.select %lt3A_115, %broadcast_in_dim3A_118, %broadcast_in_dim3A_119 : vector<16xi1>, vector<16xi32>
        tpu.vector_store_idx %arg6[%min3A_109, %and3A_112], %select_n3A_120 {add = true} : memref<65x1024xi32, #tpu.memory_space<vmem>>[vector<16xi32>, vector<16xi32>], vector<16xi32>,
        %mul3A_121 = arith.constant 8 : i32
        %mul3A_122 = arith.muli %scan3A_23, %mul3A_121 : i32
        %add3A_123 = arith.constant 4 : i32
        %add3A_124 = arith.addi %mul3A_122, %add3A_123 : i32
        %mul3A_125 = arith.constant 16 : i32
        %mul3A_126 = arith.muli %add3A_124, %mul3A_125 : i32
        %get3A_127 = arith.index_cast %mul3A_126 : i32 to index
        %get3A_128 = tpu.vector_load %arg7[%get3A_127] {strides = array<i32>} : memref<16384xi32, #tpu.memory_space<vmem>>, vector<16xi32>,
        %get3A_129 = arith.index_cast %mul3A_126 : i32 to index
        %get3A_130 = tpu.vector_load %arg8[%get3A_129] {strides = array<i32>} : memref<16384xi32, #tpu.memory_space<vmem>>, vector<16xi32>,
        %sub3A_131 = vector.broadcast %mul3A_2 : i32 to vector<16xi32>
        %sub3A_132 = arith.subi %get3A_130, %sub3A_131 : vector<16xi32>
        %min3A_133 = arith.constant 64 : i32
        %min3A_134 = vector.broadcast %min3A_133 : i32 to vector<16xi32>
        %min3A_135 = arith.minui %sub3A_132, %min3A_134 : vector<16xi32>
        %and3A_136 = arith.constant 1023 : i32
        %and3A_137 = vector.broadcast %and3A_136 : i32 to vector<16xi32>
        %and3A_138 = arith.andi %get3A_128, %and3A_137 : vector<16xi32>
        %lt3A_139 = arith.constant 1024 : i32
        %lt3A_140 = vector.broadcast %lt3A_139 : i32 to vector<16xi32>
        %lt3A_141 = arith.cmpi slt, %get3A_128, %lt3A_140 : vector<16xi32>
        %jit3A_142 = arith.constant 1 : i32
        %jit3A_143 = arith.constant 65536 : i32
        %broadcast_in_dim3A_144 = vector.broadcast %jit3A_142 : i32 to vector<16xi32>
        %broadcast_in_dim3A_145 = vector.broadcast %jit3A_143 : i32 to vector<16xi32>
        %select_n3A_146 = arith.select %lt3A_141, %broadcast_in_dim3A_144, %broadcast_in_dim3A_145 : vector<16xi1>, vector<16xi32>
        tpu.vector_store_idx %arg6[%min3A_135, %and3A_138], %select_n3A_146 {add = true} : memref<65x1024xi32, #tpu.memory_space<vmem>>[vector<16xi32>, vector<16xi32>], vector<16xi32>,
        %mul3A_147 = arith.constant 8 : i32
        %mul3A_148 = arith.muli %scan3A_23, %mul3A_147 : i32
        %add3A_149 = arith.constant 5 : i32
        %add3A_150 = arith.addi %mul3A_148, %add3A_149 : i32
        %mul3A_151 = arith.constant 16 : i32
        %mul3A_152 = arith.muli %add3A_150, %mul3A_151 : i32
        %get3A_153 = arith.index_cast %mul3A_152 : i32 to index
        %get3A_154 = tpu.vector_load %arg7[%get3A_153] {strides = array<i32>} : memref<16384xi32, #tpu.memory_space<vmem>>, vector<16xi32>,
        %get3A_155 = arith.index_cast %mul3A_152 : i32 to index
        %get3A_156 = tpu.vector_load %arg8[%get3A_155] {strides = array<i32>} : memref<16384xi32, #tpu.memory_space<vmem>>, vector<16xi32>,
        %sub3A_157 = vector.broadcast %mul3A_2 : i32 to vector<16xi32>
        %sub3A_158 = arith.subi %get3A_156, %sub3A_157 : vector<16xi32>
        %min3A_159 = arith.constant 64 : i32
        %min3A_160 = vector.broadcast %min3A_159 : i32 to vector<16xi32>
        %min3A_161 = arith.minui %sub3A_158, %min3A_160 : vector<16xi32>
        %and3A_162 = arith.constant 1023 : i32
        %and3A_163 = vector.broadcast %and3A_162 : i32 to vector<16xi32>
        %and3A_164 = arith.andi %get3A_154, %and3A_163 : vector<16xi32>
        %lt3A_165 = arith.constant 1024 : i32
        %lt3A_166 = vector.broadcast %lt3A_165 : i32 to vector<16xi32>
        %lt3A_167 = arith.cmpi slt, %get3A_154, %lt3A_166 : vector<16xi32>
        %jit3A_168 = arith.constant 1 : i32
        %jit3A_169 = arith.constant 65536 : i32
        %broadcast_in_dim3A_170 = vector.broadcast %jit3A_168 : i32 to vector<16xi32>
        %broadcast_in_dim3A_171 = vector.broadcast %jit3A_169 : i32 to vector<16xi32>
        %select_n3A_172 = arith.select %lt3A_167, %broadcast_in_dim3A_170, %broadcast_in_dim3A_171 : vector<16xi1>, vector<16xi32>
        tpu.vector_store_idx %arg6[%min3A_161, %and3A_164], %select_n3A_172 {add = true} : memref<65x1024xi32, #tpu.memory_space<vmem>>[vector<16xi32>, vector<16xi32>], vector<16xi32>,
        %mul3A_173 = arith.constant 8 : i32
        %mul3A_174 = arith.muli %scan3A_23, %mul3A_173 : i32
        %add3A_175 = arith.constant 6 : i32
        %add3A_176 = arith.addi %mul3A_174, %add3A_175 : i32
        %mul3A_177 = arith.constant 16 : i32
        %mul3A_178 = arith.muli %add3A_176, %mul3A_177 : i32
        %get3A_179 = arith.index_cast %mul3A_178 : i32 to index
        %get3A_180 = tpu.vector_load %arg7[%get3A_179] {strides = array<i32>} : memref<16384xi32, #tpu.memory_space<vmem>>, vector<16xi32>,
        %get3A_181 = arith.index_cast %mul3A_178 : i32 to index
        %get3A_182 = tpu.vector_load %arg8[%get3A_181] {strides = array<i32>} : memref<16384xi32, #tpu.memory_space<vmem>>, vector<16xi32>,
        %sub3A_183 = vector.broadcast %mul3A_2 : i32 to vector<16xi32>
        %sub3A_184 = arith.subi %get3A_182, %sub3A_183 : vector<16xi32>
        %min3A_185 = arith.constant 64 : i32
        %min3A_186 = vector.broadcast %min3A_185 : i32 to vector<16xi32>
        %min3A_187 = arith.minui %sub3A_184, %min3A_186 : vector<16xi32>
        %and3A_188 = arith.constant 1023 : i32
        %and3A_189 = vector.broadcast %and3A_188 : i32 to vector<16xi32>
        %and3A_190 = arith.andi %get3A_180, %and3A_189 : vector<16xi32>
        %lt3A_191 = arith.constant 1024 : i32
        %lt3A_192 = vector.broadcast %lt3A_191 : i32 to vector<16xi32>
        %lt3A_193 = arith.cmpi slt, %get3A_180, %lt3A_192 : vector<16xi32>
        %jit3A_194 = arith.constant 1 : i32
        %jit3A_195 = arith.constant 65536 : i32
        %broadcast_in_dim3A_196 = vector.broadcast %jit3A_194 : i32 to vector<16xi32>
        %broadcast_in_dim3A_197 = vector.broadcast %jit3A_195 : i32 to vector<16xi32>
        %select_n3A_198 = arith.select %lt3A_193, %broadcast_in_dim3A_196, %broadcast_in_dim3A_197 : vector<16xi1>, vector<16xi32>
        tpu.vector_store_idx %arg6[%min3A_187, %and3A_190], %select_n3A_198 {add = true} : memref<65x1024xi32, #tpu.memory_space<vmem>>[vector<16xi32>, vector<16xi32>], vector<16xi32>,
        %mul3A_199 = arith.constant 8 : i32
        %mul3A_200 = arith.muli %scan3A_23, %mul3A_199 : i32
        %add3A_201 = arith.constant 7 : i32
        %add3A_202 = arith.addi %mul3A_200, %add3A_201 : i32
        %mul3A_203 = arith.constant 16 : i32
        %mul3A_204 = arith.muli %add3A_202, %mul3A_203 : i32
        %get3A_205 = arith.index_cast %mul3A_204 : i32 to index
        %get3A_206 = tpu.vector_load %arg7[%get3A_205] {strides = array<i32>} : memref<16384xi32, #tpu.memory_space<vmem>>, vector<16xi32>,
        %get3A_207 = arith.index_cast %mul3A_204 : i32 to index
        %get3A_208 = tpu.vector_load %arg8[%get3A_207] {strides = array<i32>} : memref<16384xi32, #tpu.memory_space<vmem>>, vector<16xi32>,
        %sub3A_209 = vector.broadcast %mul3A_2 : i32 to vector<16xi32>
        %sub3A_210 = arith.subi %get3A_208, %sub3A_209 : vector<16xi32>
        %min3A_211 = arith.constant 64 : i32
        %min3A_212 = vector.broadcast %min3A_211 : i32 to vector<16xi32>
        %min3A_213 = arith.minui %sub3A_210, %min3A_212 : vector<16xi32>
        %and3A_214 = arith.constant 1023 : i32
        %and3A_215 = vector.broadcast %and3A_214 : i32 to vector<16xi32>
        %and3A_216 = arith.andi %get3A_206, %and3A_215 : vector<16xi32>
        %lt3A_217 = arith.constant 1024 : i32
        %lt3A_218 = vector.broadcast %lt3A_217 : i32 to vector<16xi32>
        %lt3A_219 = arith.cmpi slt, %get3A_206, %lt3A_218 : vector<16xi32>
        %jit3A_220 = arith.constant 1 : i32
        %jit3A_221 = arith.constant 65536 : i32
        %broadcast_in_dim3A_222 = vector.broadcast %jit3A_220 : i32 to vector<16xi32>
        %broadcast_in_dim3A_223 = vector.broadcast %jit3A_221 : i32 to vector<16xi32>
        %select_n3A_224 = arith.select %lt3A_219, %broadcast_in_dim3A_222, %broadcast_in_dim3A_223 : vector<16xi1>, vector<16xi32>
        tpu.vector_store_idx %arg6[%min3A_213, %and3A_216], %select_n3A_224 {add = true} : memref<65x1024xi32, #tpu.memory_space<vmem>>[vector<16xi32>, vector<16xi32>], vector<16xi32>,
        %scan3A_225 = arith.constant 0 : i32
        scf.yield %scan3A_225 : i32
      }
      %scan3A_21 = arith.constant 128 : i32
      %scan3A_22 = arith.constant 0 : i32
      scf.yield %scan3A_22 : i32
    }
    %scan3A_8 = arith.constant 2 : i32
    "tpu.region"() ({
      %run_scoped3A = tpu.sem_alloc : memref<!tpu.dma_semaphore, #tpu.memory_space<semaphore_mem>>
      %dma_start3A = arith.constant 0 : i32
      %dma_start3A_9 = arith.constant 0 : i32
      %dma_start3A_10 = tpu.memref_slice %arg6[%dma_start3A, %dma_start3A_9] : memref<65x1024xi32, #tpu.memory_space<vmem>> -> memref<64x1024xi32, #tpu.memory_space<vmem>>
      %dma_start3A_11 = arith.constant 0 : i32
      %dma_start3A_12 = tpu.memref_slice %arg5[%mul3A_2, %dma_start3A_11] : memref<2048x1024xi32, #tpu.memory_space<hbm>> -> memref<64x1024xi32, #tpu.memory_space<hbm>>
      %dma_start3A_13 = arith.constant 0 : i32
      %dma_start3A_14 = tpu.memref_slice %arg5[%mul3A_2, %dma_start3A_13] : memref<2048x1024xi32, #tpu.memory_space<hbm>> -> memref<64x1024xi32, #tpu.memory_space<hbm>>
      %dma_start3A_15 = arith.constant 0 : i32
      %dma_start3A_16 = arith.constant 0 : i32
      %dma_start3A_17 = tpu.memref_slice %arg6[%dma_start3A_15, %dma_start3A_16] : memref<65x1024xi32, #tpu.memory_space<vmem>> -> memref<64x1024xi32, #tpu.memory_space<vmem>>
      tpu.enqueue_dma source(%dma_start3A_17 : memref<64x1024xi32, #tpu.memory_space<vmem>>) target(%dma_start3A_14 : memref<64x1024xi32, #tpu.memory_space<hbm>>) target_semaphore(%run_scoped3A : memref<!tpu.dma_semaphore, #tpu.memory_space<semaphore_mem>>)
      %dma_wait3A = arith.constant 0 : i32
      %dma_wait3A_18 = arith.constant 0 : i32
      %dma_wait3A_19 = tpu.memref_slice %arg6[%dma_wait3A, %dma_wait3A_18] : memref<65x1024xi32, #tpu.memory_space<vmem>> -> memref<64x1024xi32, #tpu.memory_space<vmem>>
      %dma_wait3A_20 = arith.constant 0 : i32
      %dma_wait3A_21 = tpu.memref_slice %arg5[%mul3A_2, %dma_wait3A_20] : memref<2048x1024xi32, #tpu.memory_space<hbm>> -> memref<64x1024xi32, #tpu.memory_space<hbm>>
      %dma_wait3A_22 = arith.constant 0 : i32
      %dma_wait3A_23 = tpu.memref_slice %arg5[%mul3A_2, %dma_wait3A_22] : memref<2048x1024xi32, #tpu.memory_space<hbm>> -> memref<64x1024xi32, #tpu.memory_space<hbm>>
      %dma_wait3A_24 = arith.constant 0 : i32
      %dma_wait3A_25 = arith.constant 0 : i32
      %dma_wait3A_26 = tpu.memref_slice %arg6[%dma_wait3A_24, %dma_wait3A_25] : memref<65x1024xi32, #tpu.memory_space<vmem>> -> memref<64x1024xi32, #tpu.memory_space<vmem>>
      tpu.wait_dma2 semaphore(%run_scoped3A : memref<!tpu.dma_semaphore, #tpu.memory_space<semaphore_mem>>) src(%dma_wait3A_26 : memref<64x1024xi32, #tpu.memory_space<vmem>>) dst(%dma_wait3A_23 : memref<64x1024xi32, #tpu.memory_space<hbm>>)
      tpu.yield
    }) : () -> ()
    return
  }
}

module attributes {stable_mosaic.version = 14 : i64} {
  func.func @_agg_kernel(%arg0: i32, %arg1: memref<2048x1024xi32, #tpu.memory_space<vmem>>, %arg2: memref<1x2048x256xbf16, #tpu.memory_space<vmem>>, %arg3: memref<256x256xbf16, #tpu.memory_space<vmem>>, %arg4: memref<256x256xbf16, #tpu.memory_space<vmem>>, %arg5: memref<1x256xf32, #tpu.memory_space<vmem>>, %arg6: memref<256x4xf32, #tpu.memory_space<vmem>>, %arg7: memref<4x256xf32, #tpu.memory_space<vmem>>, %arg8: memref<4x1x2048x64xf32, #tpu.memory_space<vmem>>, %arg9: memref<2048x2048xbf16, #tpu.memory_space<vmem>>, %arg10: memref<2048x1xf32, #tpu.memory_space<vmem>>, %arg11: memref<2048x256xf32, #tpu.memory_space<vmem>>) attributes {dimension_semantics = [#tpu.dimension_semantics<arbitrary>], iteration_bounds = array<i64: 13>, scalar_prefetch = 0 : i64, scratch_operands = 3 : i64, tpu.core_type = #tpu.core_type<tc>, window_params = [{pipeline_mode = #tpu.pipeline_mode<synchronous>, transform_indices = @transform_0, window_bounds = array<i64: 2048, 1024>}, {transform_indices = @transform_1, window_bounds = array<i64: 1, 2048, 256>}, {pipeline_mode = #tpu.pipeline_mode<synchronous>, transform_indices = @transform_2, window_bounds = array<i64: 256, 256>}, {pipeline_mode = #tpu.pipeline_mode<synchronous>, transform_indices = @transform_3, window_bounds = array<i64: 256, 256>}, {pipeline_mode = #tpu.pipeline_mode<synchronous>, transform_indices = @transform_4, window_bounds = array<i64: 1, 256>}, {pipeline_mode = #tpu.pipeline_mode<synchronous>, transform_indices = @transform_5, window_bounds = array<i64: 256, 4>}, {pipeline_mode = #tpu.pipeline_mode<synchronous>, transform_indices = @transform_6, window_bounds = array<i64: 4, 256>}, {transform_indices = @transform_7, window_bounds = array<i64: 4, 1, 2048, 64>}]} {
    %eq3A = arith.constant 0 : i32
    %eq3A_0 = arith.cmpi eq, %arg0, %eq3A : i32
    %convert_element_type3A = arith.extui %eq3A_0 : i1 to i32
    %cond3A = arith.constant 0 : i32
    %cond3A_1 = arith.cmpi ne, %convert_element_type3A, %cond3A : i32
    scf.if %cond3A_1 {
      %get3A = arith.constant 0 : index
      %get3A_10 = arith.constant 0 : index
      %get3A_11 = vector.load %arg1[%get3A, %get3A_10] : memref<2048x1024xi32, #tpu.memory_space<vmem>>, vector<2048x1024xi32>
      %shift_right_arithmetic3A = arith.constant 16 : i32
      %shift_right_arithmetic3A_12 = vector.broadcast %shift_right_arithmetic3A : i32 to vector<2048x1024xi32>
      %shift_right_arithmetic3A_13 = arith.shrsi %get3A_11, %shift_right_arithmetic3A_12 : vector<2048x1024xi32>
      %shift_left3A = arith.constant 16 : i32
      %shift_left3A_14 = vector.broadcast %shift_left3A : i32 to vector<2048x1024xi32>
      %shift_left3A_15 = arith.shli %shift_right_arithmetic3A_13, %shift_left3A_14 : vector<2048x1024xi32>
      %sub3A = arith.subi %get3A_11, %shift_left3A_15 : vector<2048x1024xi32>
      %convert_element_type3A_16 = arith.sitofp %sub3A : vector<2048x1024xi32> to vector<2048x1024xf32>
      %convert_element_type3A_17 = arith.truncf %convert_element_type3A_16 : vector<2048x1024xf32> to vector<2048x1024xbf16>
      %convert_element_type3A_18 = arith.sitofp %shift_right_arithmetic3A_13 : vector<2048x1024xi32> to vector<2048x1024xf32>
      %convert_element_type3A_19 = arith.truncf %convert_element_type3A_18 : vector<2048x1024xf32> to vector<2048x1024xbf16>
      %swap3A = arith.constant 0 : index
      %swap3A_20 = arith.constant 0 : index
      %swap3A_21 = vector.load %arg9[%swap3A, %swap3A_20] : memref<2048x2048xbf16, #tpu.memory_space<vmem>>, vector<2048x1024xbf16>
      tpu.vector_store %arg9[%swap3A, %swap3A_20], %convert_element_type3A_17 {strides = array<i32>} : memref<2048x2048xbf16, #tpu.memory_space<vmem>>, vector<2048x1024xbf16>,
      %swap3A_22 = arith.constant 0 : index
      %swap3A_23 = arith.constant 1024 : index
      %swap3A_24 = vector.load %arg9[%swap3A_22, %swap3A_23] : memref<2048x2048xbf16, #tpu.memory_space<vmem>>, vector<2048x1024xbf16>
      tpu.vector_store %arg9[%swap3A_22, %swap3A_23], %convert_element_type3A_19 {strides = array<i32>} : memref<2048x2048xbf16, #tpu.memory_space<vmem>>, vector<2048x1024xbf16>,
      %add3A = arith.addf %convert_element_type3A_17, %convert_element_type3A_19 : vector<2048x1024xbf16>
      %broadcast_in_dim3A = arith.constant 1.000000e+00 : bf16
      %broadcast_in_dim3A_25 = vector.broadcast %broadcast_in_dim3A : bf16 to vector<1024x8xbf16>
      %dot_general3A = arith.constant dense<0.000000e+00> : vector<2048x8xf32>
      %dot_general3A_26 = tpu.matmul %add3A, %broadcast_in_dim3A_25, %dot_general3A {dimension_numbers = #tpu.dot_dimension_numbers<[1], [0], [0], [1], [0, 0, 1, 1], [], []>, transpose_lhs_hint = false} : vector<2048x1024xbf16>, vector<1024x8xbf16>, vector<2048x8xf32> -> vector<2048x8xf32>
      %slice3A = vector.extract_strided_slice %dot_general3A_26 {offsets = [0, 0], sizes = [2048, 1], strides = [1, 1]} : vector<2048x8xf32> to vector<2048x1xf32>
      %max3A = arith.constant 1.000000e+00 : f32
      %max3A_27 = vector.broadcast %max3A : f32 to vector<2048x1xf32>
      %max3A_28 = arith.maximumf %slice3A, %max3A_27 : vector<2048x1xf32>
      %div3A = arith.constant 1.000000e+00 : f32
      %div3A_29 = vector.broadcast %div3A : f32 to vector<2048x1xf32>
      %div3A_30 = arith.divf %div3A_29, %max3A_28 : vector<2048x1xf32>
      %swap3A_31 = arith.constant 0 : index
      %swap3A_32 = arith.constant 0 : index
      %swap3A_33 = vector.load %arg10[%swap3A_31, %swap3A_32] : memref<2048x1xf32, #tpu.memory_space<vmem>>, vector<2048x1xf32>
      tpu.vector_store %arg10[%swap3A_31, %swap3A_32], %div3A_30 {strides = array<i32>} : memref<2048x1xf32, #tpu.memory_space<vmem>>, vector<2048x1xf32>,
    } else {
    }
    %gt3A = arith.constant 0 : i32
    %gt3A_2 = arith.cmpi sgt, %arg0, %gt3A : i32
    %convert_element_type3A_3 = arith.extui %gt3A_2 : i1 to i32
    %cond3A_4 = arith.constant 0 : i32
    %cond3A_5 = arith.cmpi ne, %convert_element_type3A_3, %cond3A_4 : i32
    scf.if %cond3A_5 {
      %get3A = arith.constant 0 : index
      %get3A_10 = arith.constant 0 : index
      %get3A_11 = vector.load %arg11[%get3A, %get3A_10] : memref<2048x256xf32, #tpu.memory_space<vmem>>, vector<2048x64xf32>
      %swap3A = arith.constant 0 : index
      %swap3A_12 = arith.constant 0 : index
      %swap3A_13 = arith.constant 0 : index
      %swap3A_14 = arith.constant 0 : index
      %swap3A_15 = vector.load %arg8[%swap3A, %swap3A_12, %swap3A_13, %swap3A_14] : memref<4x1x2048x64xf32, #tpu.memory_space<vmem>>, vector<1x1x2048x64xf32>
      %swap3A_16 = vector.shape_cast %swap3A_15 : vector<1x1x2048x64xf32> to vector<2048x64xf32>
      %swap3A_17 = vector.shape_cast %get3A_11 : vector<2048x64xf32> to vector<1x1x2048x64xf32>
      tpu.vector_store %arg8[%swap3A, %swap3A_12, %swap3A_13, %swap3A_14], %swap3A_17 {strides = array<i32>} : memref<4x1x2048x64xf32, #tpu.memory_space<vmem>>, vector<1x1x2048x64xf32>,
      %get3A_18 = arith.constant 0 : index
      %get3A_19 = arith.constant 64 : index
      %get3A_20 = vector.load %arg11[%get3A_18, %get3A_19] : memref<2048x256xf32, #tpu.memory_space<vmem>>, vector<2048x64xf32>
      %swap3A_21 = arith.constant 1 : index
      %swap3A_22 = arith.constant 0 : index
      %swap3A_23 = arith.constant 0 : index
      %swap3A_24 = arith.constant 0 : index
      %swap3A_25 = vector.load %arg8[%swap3A_21, %swap3A_22, %swap3A_23, %swap3A_24] : memref<4x1x2048x64xf32, #tpu.memory_space<vmem>>, vector<1x1x2048x64xf32>
      %swap3A_26 = vector.shape_cast %swap3A_25 : vector<1x1x2048x64xf32> to vector<2048x64xf32>
      %swap3A_27 = vector.shape_cast %get3A_20 : vector<2048x64xf32> to vector<1x1x2048x64xf32>
      tpu.vector_store %arg8[%swap3A_21, %swap3A_22, %swap3A_23, %swap3A_24], %swap3A_27 {strides = array<i32>} : memref<4x1x2048x64xf32, #tpu.memory_space<vmem>>, vector<1x1x2048x64xf32>,
      %get3A_28 = arith.constant 0 : index
      %get3A_29 = arith.constant 128 : index
      %get3A_30 = vector.load %arg11[%get3A_28, %get3A_29] : memref<2048x256xf32, #tpu.memory_space<vmem>>, vector<2048x64xf32>
      %swap3A_31 = arith.constant 2 : index
      %swap3A_32 = arith.constant 0 : index
      %swap3A_33 = arith.constant 0 : index
      %swap3A_34 = arith.constant 0 : index
      %swap3A_35 = vector.load %arg8[%swap3A_31, %swap3A_32, %swap3A_33, %swap3A_34] : memref<4x1x2048x64xf32, #tpu.memory_space<vmem>>, vector<1x1x2048x64xf32>
      %swap3A_36 = vector.shape_cast %swap3A_35 : vector<1x1x2048x64xf32> to vector<2048x64xf32>
      %swap3A_37 = vector.shape_cast %get3A_30 : vector<2048x64xf32> to vector<1x1x2048x64xf32>
      tpu.vector_store %arg8[%swap3A_31, %swap3A_32, %swap3A_33, %swap3A_34], %swap3A_37 {strides = array<i32>} : memref<4x1x2048x64xf32, #tpu.memory_space<vmem>>, vector<1x1x2048x64xf32>,
      %get3A_38 = arith.constant 0 : index
      %get3A_39 = arith.constant 192 : index
      %get3A_40 = vector.load %arg11[%get3A_38, %get3A_39] : memref<2048x256xf32, #tpu.memory_space<vmem>>, vector<2048x64xf32>
      %swap3A_41 = arith.constant 3 : index
      %swap3A_42 = arith.constant 0 : index
      %swap3A_43 = arith.constant 0 : index
      %swap3A_44 = arith.constant 0 : index
      %swap3A_45 = vector.load %arg8[%swap3A_41, %swap3A_42, %swap3A_43, %swap3A_44] : memref<4x1x2048x64xf32, #tpu.memory_space<vmem>>, vector<1x1x2048x64xf32>
      %swap3A_46 = vector.shape_cast %swap3A_45 : vector<1x1x2048x64xf32> to vector<2048x64xf32>
      %swap3A_47 = vector.shape_cast %get3A_40 : vector<2048x64xf32> to vector<1x1x2048x64xf32>
      tpu.vector_store %arg8[%swap3A_41, %swap3A_42, %swap3A_43, %swap3A_44], %swap3A_47 {strides = array<i32>} : memref<4x1x2048x64xf32, #tpu.memory_space<vmem>>, vector<1x1x2048x64xf32>,
    } else {
    }
    %lt3A = arith.constant 12 : i32
    %lt3A_6 = arith.cmpi slt, %arg0, %lt3A : i32
    %convert_element_type3A_7 = arith.extui %lt3A_6 : i1 to i32
    %cond3A_8 = arith.constant 0 : i32
    %cond3A_9 = arith.cmpi ne, %convert_element_type3A_7, %cond3A_8 : i32
    scf.if %cond3A_9 {
      %get3A = arith.constant 0 : index
      %get3A_10 = arith.constant 0 : index
      %get3A_11 = arith.constant 0 : index
      %get3A_12 = vector.load %arg2[%get3A, %get3A_10, %get3A_11] : memref<1x2048x256xbf16, #tpu.memory_space<vmem>>, vector<1x2048x256xbf16>
      %get3A_13 = vector.shape_cast %get3A_12 : vector<1x2048x256xbf16> to vector<2048x256xbf16>
      %get3A_14 = arith.constant 0 : index
      %get3A_15 = arith.constant 0 : index
      %get3A_16 = vector.load %arg9[%get3A_14, %get3A_15] : memref<2048x2048xbf16, #tpu.memory_space<vmem>>, vector<2048x2048xbf16>
      %dot_general3A = arith.constant dense<0.000000e+00> : vector<2048x256xf32>
      %dot_general3A_17 = tpu.matmul %get3A_16, %get3A_13, %dot_general3A {dimension_numbers = #tpu.dot_dimension_numbers<[1], [0], [0], [1], [0, 0, 1, 1], [], []>, transpose_lhs_hint = false} : vector<2048x2048xbf16>, vector<2048x256xbf16>, vector<2048x256xf32> -> vector<2048x256xf32>
      %get3A_18 = arith.constant 0 : index
      %get3A_19 = arith.constant 0 : index
      %get3A_20 = vector.load %arg10[%get3A_18, %get3A_19] : memref<2048x1xf32, #tpu.memory_space<vmem>>, vector<2048x1xf32>
      %mul3A = vector.broadcast %get3A_20 : vector<2048x1xf32> to vector<2048x256xf32>
      %mul3A_21 = arith.mulf %dot_general3A_17, %mul3A : vector<2048x256xf32>
      %convert_element_type3A_22 = arith.truncf %mul3A_21 : vector<2048x256xf32> to vector<2048x256xbf16>
      %get3A_23 = arith.constant 0 : index
      %get3A_24 = arith.constant 0 : index
      %get3A_25 = vector.load %arg3[%get3A_23, %get3A_24] : memref<256x256xbf16, #tpu.memory_space<vmem>>, vector<256x256xbf16>
      %dot_general3A_26 = arith.constant dense<0.000000e+00> : vector<2048x256xf32>
      %dot_general3A_27 = tpu.matmul %get3A_13, %get3A_25, %dot_general3A_26 {dimension_numbers = #tpu.dot_dimension_numbers<[1], [0], [0], [1], [0, 0, 1, 1], [], []>, transpose_lhs_hint = false} : vector<2048x256xbf16>, vector<256x256xbf16>, vector<2048x256xf32> -> vector<2048x256xf32>
      %get3A_28 = arith.constant 0 : index
      %get3A_29 = arith.constant 0 : index
      %get3A_30 = vector.load %arg4[%get3A_28, %get3A_29] : memref<256x256xbf16, #tpu.memory_space<vmem>>, vector<256x256xbf16>
      %dot_general3A_31 = arith.constant dense<0.000000e+00> : vector<2048x256xf32>
      %dot_general3A_32 = tpu.matmul %convert_element_type3A_22, %get3A_30, %dot_general3A_31 {dimension_numbers = #tpu.dot_dimension_numbers<[1], [0], [0], [1], [0, 0, 1, 1], [], []>, transpose_lhs_hint = false} : vector<2048x256xbf16>, vector<256x256xbf16>, vector<2048x256xf32> -> vector<2048x256xf32>
      %add3A = arith.addf %dot_general3A_27, %dot_general3A_32 : vector<2048x256xf32>
      %get3A_33 = arith.constant 0 : index
      %get3A_34 = arith.constant 0 : index
      %get3A_35 = vector.load %arg5[%get3A_33, %get3A_34] : memref<1x256xf32, #tpu.memory_space<vmem>>, vector<1x256xf32>
      %add3A_36 = vector.broadcast %get3A_35 : vector<1x256xf32> to vector<2048x256xf32>
      %add3A_37 = arith.addf %add3A, %add3A_36 : vector<2048x256xf32>
      %mul3A_38 = arith.mulf %add3A_37, %add3A_37 : vector<2048x256xf32>
      %get3A_39 = arith.constant 0 : index
      %get3A_40 = arith.constant 0 : index
      %get3A_41 = vector.load %arg6[%get3A_39, %get3A_40] : memref<256x4xf32, #tpu.memory_space<vmem>>, vector<256x4xf32>
      %dot_general3A_42 = arith.constant dense<0.000000e+00> : vector<2048x4xf32>
      %dot_general3A_43 = tpu.matmul %mul3A_38, %get3A_41, %dot_general3A_42 {dimension_numbers = #tpu.dot_dimension_numbers<[1], [0], [0], [1], [0, 0, 1, 1], [], []>, transpose_lhs_hint = false} : vector<2048x256xf32>, vector<256x4xf32>, vector<2048x4xf32> -> vector<2048x4xf32>
      %sqrt3A = math.sqrt %dot_general3A_43 : vector<2048x4xf32>
      %max3A = arith.constant 9.99999996E-13 : f32
      %max3A_44 = vector.broadcast %max3A : f32 to vector<2048x4xf32>
      %max3A_45 = arith.maximumf %sqrt3A, %max3A_44 : vector<2048x4xf32>
      %div3A = arith.constant 1.000000e+00 : f32
      %div3A_46 = vector.broadcast %div3A : f32 to vector<2048x4xf32>
      %div3A_47 = arith.divf %div3A_46, %max3A_45 : vector<2048x4xf32>
      %get3A_48 = arith.constant 0 : index
      %get3A_49 = arith.constant 0 : index
      %get3A_50 = vector.load %arg7[%get3A_48, %get3A_49] : memref<4x256xf32, #tpu.memory_space<vmem>>, vector<4x256xf32>
      %dot_general3A_51 = arith.constant dense<0.000000e+00> : vector<2048x256xf32>
      %dot_general3A_52 = tpu.matmul %div3A_47, %get3A_50, %dot_general3A_51 {dimension_numbers = #tpu.dot_dimension_numbers<[1], [0], [0], [1], [0, 0, 1, 1], [], []>, transpose_lhs_hint = false} : vector<2048x4xf32>, vector<4x256xf32>, vector<2048x256xf32> -> vector<2048x256xf32>
      %mul3A_53 = arith.mulf %add3A_37, %dot_general3A_52 : vector<2048x256xf32>
      %max3A_54 = arith.constant 0.000000e+00 : f32
      %max3A_55 = vector.broadcast %max3A_54 : f32 to vector<2048x256xf32>
      %max3A_56 = arith.maximumf %mul3A_53, %max3A_55 : vector<2048x256xf32>
      %swap3A = arith.constant 0 : index
      %swap3A_57 = arith.constant 0 : index
      %swap3A_58 = vector.load %arg11[%swap3A, %swap3A_57] : memref<2048x256xf32, #tpu.memory_space<vmem>>, vector<2048x256xf32>
      tpu.vector_store %arg11[%swap3A, %swap3A_57], %max3A_56 {strides = array<i32>} : memref<2048x256xf32, #tpu.memory_space<vmem>>, vector<2048x256xf32>,
    } else {
    }
    return
  }
  func.func @transform_0(%arg0: i32) -> (i32, i32) {
    %c0_i32 = arith.constant 0 : i32
    %c0_i32_0 = arith.constant 0 : i32
    %c0_i32_1 = arith.constant 0 : i32
    return %c0_i32, %c0_i32_0 : i32, i32
  }
  func.func @transform_1(%arg0: i32) -> (i32, i32, i32) {
    %min3A = arith.constant 11 : i32
    %min3A_0 = arith.minsi %arg0, %min3A : i32
    %c0_i32 = arith.constant 0 : i32
    %c0_i32_1 = arith.constant 0 : i32
    %c0_i32_2 = arith.constant 0 : i32
    return %min3A_0, %c0_i32, %c0_i32_1 : i32, i32, i32
  }
  func.func @transform_2(%arg0: i32) -> (i32, i32) {
    %c0_i32 = arith.constant 0 : i32
    %c0_i32_0 = arith.constant 0 : i32
    %c0_i32_1 = arith.constant 0 : i32
    return %c0_i32, %c0_i32_0 : i32, i32
  }
  func.func @transform_3(%arg0: i32) -> (i32, i32) {
    %c0_i32 = arith.constant 0 : i32
    %c0_i32_0 = arith.constant 0 : i32
    %c0_i32_1 = arith.constant 0 : i32
    return %c0_i32, %c0_i32_0 : i32, i32
  }
  func.func @transform_4(%arg0: i32) -> (i32, i32) {
    %c0_i32 = arith.constant 0 : i32
    %c0_i32_0 = arith.constant 0 : i32
    %c0_i32_1 = arith.constant 0 : i32
    return %c0_i32, %c0_i32_0 : i32, i32
  }
  func.func @transform_5(%arg0: i32) -> (i32, i32) {
    %c0_i32 = arith.constant 0 : i32
    %c0_i32_0 = arith.constant 0 : i32
    %c0_i32_1 = arith.constant 0 : i32
    return %c0_i32, %c0_i32_0 : i32, i32
  }
  func.func @transform_6(%arg0: i32) -> (i32, i32) {
    %c0_i32 = arith.constant 0 : i32
    %c0_i32_0 = arith.constant 0 : i32
    %c0_i32_1 = arith.constant 0 : i32
    return %c0_i32, %c0_i32_0 : i32, i32
  }
  func.func @transform_7(%arg0: i32) -> (i32, i32, i32, i32) {
    %max3A = arith.constant 1 : i32
    %max3A_0 = arith.maxsi %arg0, %max3A : i32
    %sub3A = arith.constant 1 : i32
    %sub3A_1 = arith.subi %max3A_0, %sub3A : i32
    %c0_i32 = arith.constant 0 : i32
    %c0_i32_2 = arith.constant 0 : i32
    %c0_i32_3 = arith.constant 0 : i32
    %c0_i32_4 = arith.constant 0 : i32
    return %c0_i32, %sub3A_1, %c0_i32_2, %c0_i32_3 : i32, i32, i32, i32
  }
}

</mosaic_0001>

<sc_bundles>
// kernel: kernel.4.cloned.1.call-start
scs
__scs_entry_jumppad:
0x0: {  	(pc) =	sbr.rel $0x88, $3  }
0x1: {  	(tag) =	ssettag $0x0;
	lr =	simm.s32 $0x1  }
0x2: {  	[smem:$0x3F9C] =	sst lr;
	_ =	strace $0xD0000000  }
0x3: {  	_ = 	snop  }
0x4: {  	_ = 	snop  }
0x5: {  	_ = 	snop  }
0x6: {  	_ = 	snop  }
0x7: {  	_ = 	snop  }
__scs_overlays_trampoline_lowered:
0x8: {  	[smem:$0x3FAB] =	sst s0  }
0x9: {  	[smem:$0x3FAC] =	sst s1  }
0xa: {  	[smem:$0x3FAD] =	sst s2  }
0xb: {  	[smem:$0x3FAE] =	sst s3  }
0xc: {  	[smem:$0x3FAF] =	sst s4  }
0xd: {  	[smem:$0x3FB0] =	sst s5  }
0xe: {  	[smem:$0x3FB1] =	sst s6  }
0xf: {  	[smem:$0x3FB2] =	sst s7  }
0x10: {  	[smem:$0x3FB3] =	sst s8  }
0x11: {  	[smem:$0x3FB4] =	sst s9;
	s0 =	simm.s32 @!p0 $0x0  }
0x12: {  	s1 =	sld [smem:$0x3F9A];
	s0 =	simm.s32 @p0 $0x1  }
0x13: {  	[smem:$0x3FB5] =	sst s0;
	s0 =	simm.s32 @!p1 $0x0  }
0x14: {  	s2 =	sld [smem:$0x3F99];
	s0 =	simm.s32 @p1 $0x1  }
0x15: {  	[smem:$0x3FB6] =	sst s0;
	s0 =	simm.s32 @!p2 $0x0  }
0x16: {  	s3 =	sld [smem:$0x3FDB];
	s0 =	simm.s32 @p2 $0x1  }
0x17: {  	s4 =	simm.s32 $0x1BF5;
	[smem:$0x3FB8] =	sst s0  }
0x18: {  	s0 =	sld [smem:$0x3F9B];
	_ =	swait.ge [sflag:s4], $0x0  }
0x19: {  	s7 =	sld [smem:$0x3F9C]  }
0x1a: {  	s8 =	sadd.s32 $0xFFFFE003, lr  }
0x1b: {  	s9 =	sadd.s32 $0xFFFFFEF7, lr;
	s5 =	simm.s32 $0xFFFFFFFF;
	p2 =	slt.u32 s8, $0xFFFFF086  }
0x1c: {  	p1 =	slt.u32 s9, $0xF7A;
	s5 =	simm.s32 @!p2 $0x0  }
0x1d: {  	s5 =	simm.s32 @p1 $0x1;
	p0 =	seq.s32 s7, s2  }
0x1e: {  	s7 =	smul.u32 @!p0 $0xF7A, s2;
	p2 =	seq.s32 @!p0 s5, $0x0  }
0x1f: {  	s9 =	smul.u32 $0xF7A, s1;
	s8 =	simm.s32 @!p0 $0x1BF5;
	p2 =	por !p2, p0  }
0x20: {  	[sflag:s8] =	ssyncset.s32 @!p0 $0xFFFFF086;
	s6 =	sadd.s32 @!p0 s3, s7;
	s7 =	simm.s32 @!p0 $0x108  }
0x21: {  	s3 =	sadd.s32 s3, s9;
	s6 =	sadd.s32 @!p0 $0x88, s6;
	s7 =	simm.s32 @p2 $0x1082  }
0x22: {  	[simem:s7], [sflag:s8] =	dma.local @!p0 [hbm:s6], $0xF7A  }
0x23: {  	s9 =	sor.u32 $0xD0000000, s2;
	s6 =	simm.s32 $0x108;
	_ =	swait.ge @!p0 [sflag:s8], $0x0  }
0x24: {  	s3 =	sadd.s32 $0x88, s3;
	s6 =	simm.s32 @!p1 $0x1082;
	[sflag:s4] =	ssyncset.s32 $0xFFFFF086  }
0x25: {  	[simem:s6], [sflag:s4] =	dma.local [hbm:s3], $0xF7A  }
0x26: {  	[smem:$0x3F9C] =	sst s1;
	(tag) =	ssettag s2;
	_ =	strace s9  }
0x27: {  	s1 =	sld [smem:$0x3FAC]  }
0x28: {  	s2 =	sld [smem:$0x3FAD]  }
0x29: {  	s4 =	sld [smem:$0x3FAF]  }
0x2a: {  	p0 =	seq.s32 s5, $0x0;
	s5 =	sld [smem:$0x3FB0]  }
0x2b: {  	s6 =	sld [smem:$0x3FB1]  }
0x2c: {  	s7 =	sld [smem:$0x3FB2]  }
0x2d: {  	s3 =	simm.s32 $0x108;
	s8 =	sld [smem:$0x3FB3]  }
0x2e: {  	s3 =	simm.s32 @!p0 $0x1082;
	s9 =	sld [smem:$0x3FB4]  }
0x2f: {  	lr =	sadd.s32 s0, s3;
	s0 =	sld [smem:$0x3FAB]  }
0x30: {  	s3 =	sld [smem:$0x3FAE]  }
0x31: {  	[smem:$0x3FB7] =	sst s10  }
0x32: {  	s10 =	sld [smem:$0x3FB5];
	_ =	sdelay $0x3  }
0x33: {  	p0 =	seq.s32 s10, $0x1;
	s10 =	sld [smem:$0x3FB7];
	_ =	sdelay $0x3  }
0x34: {  	[smem:$0x3FB7] =	sst s10  }
0x35: {  	s10 =	sld [smem:$0x3FB6];
	_ =	sdelay $0x3  }
0x36: {  	p1 =	seq.s32 s10, $0x1;
	s10 =	sld [smem:$0x3FB7];
	_ =	sdelay $0x3  }
0x37: {  	[smem:$0x3FB7] =	sst s10  }
0x38: {  	s10 =	sld [smem:$0x3FB8]  }
0x39: {  	_ = 	snop;
	(pc) =	sbr.ind lr, $3  }
0x3a: {  	_ = 	snop  }
0x3b: {  	_ = 	snop  }
0x3c: {  	p2 =	seq.s32 s10, $0x1;
	s10 =	sld [smem:$0x3FB7]  }
0x3d: {  	_ =	shalt  }
0x3e: {  	_ =	shalt  }
0x3f: {  	_ =	shalt  }
0x40: {  	_ =	shalt  }
0x41: {  	_ =	shalt  }
0x42: {  	_ =	shalt  }
0x43: {  	_ =	shalt  }
0x44: {  	_ =	shalt  }
0x45: {  	_ =	shalt  }
0x46: {  	_ =	shalt  }
0x47: {  	_ =	shalt  }
0x48: {  	_ =	shalt  }
0x49: {  	_ =	shalt  }
0x4a: {  	_ =	shalt  }
0x4b: {  	_ =	shalt  }
0x4c: {  	_ =	shalt  }
0x4d: {  	_ =	shalt  }
0x4e: {  	_ =	shalt  }
0x4f: {  	_ =	shalt  }
0x50: {  	_ =	shalt  }
0x51: {  	_ =	shalt  }
0x52: {  	_ =	shalt  }
0x53: {  	_ =	shalt  }
0x54: {  	_ =	shalt  }
0x55: {  	_ =	shalt  }
0x56: {  	_ =	shalt  }
0x57: {  	_ =	shalt  }
0x58: {  	_ =	shalt  }
0x59: {  	_ =	shalt  }
0x5a: {  	_ =	shalt  }
0x5b: {  	_ =	shalt  }
0x5c: {  	_ =	shalt  }
0x5d: {  	_ =	shalt  }
0x5e: {  	_ =	shalt  }
0x5f: {  	_ =	shalt  }
0x60: {  	_ =	shalt  }
0x61: {  	_ =	shalt  }
0x62: {  	_ =	shalt  }
0x63: {  	_ =	shalt  }
0x64: {  	_ =	shalt  }
0x65: {  	_ =	shalt  }
0x66: {  	_ =	shalt  }
0x67: {  	_ =	shalt  }
0x68: {  	_ =	shalt  }
0x69: {  	_ =	shalt  }
0x6a: {  	_ =	shalt  }
0x6b: {  	_ =	shalt  }
0x6c: {  	_ =	shalt  }
0x6d: {  	_ =	shalt  }
0x6e: {  	_ =	shalt  }
0x6f: {  	_ =	shalt  }
0x70: {  	_ =	shalt  }
0x71: {  	_ =	shalt  }
0x72: {  	_ =	shalt  }
0x73: {  	_ =	shalt  }
0x74: {  	_ =	shalt  }
0x75: {  	_ =	shalt  }
0x76: {  	_ =	shalt  }
0x77: {  	_ =	shalt  }
0x78: {  	_ =	shalt  }
0x79: {  	_ =	shalt  }
0x7a: {  	_ =	shalt  }
0x7b: {  	_ =	shalt  }
0x7c: {  	_ =	shalt  }
0x7d: {  	_ =	shalt  }
0x7e: {  	_ =	shalt  }
0x7f: {  	_ =	shalt  }
0x80: {  	_ =	shalt  }
0x81: {  	_ =	shalt  }
0x82: {  	_ =	shalt  }
0x83: {  	_ =	shalt  }
0x84: {  	_ =	shalt  }
0x85: {  	_ =	shalt  }
0x86: {  	_ =	shalt  }
0x87: {  	_ =	shalt  }
.Lfunc_end0:
.L_simem_size_0:
called_computation_lowered:
.L_overlay_start_0:
0x88: {  	s2 =	sld [smem:$0x3FD9]  }
0x89: {  	s3 =	sld [smem:$0x3FFE];
	_ =	sdelay $0x1  }
0x8a: {  	s1 =	srdreg.scid  }
0x8b: {  	s0 =	sand.u32 $0x1, s1  }
0x8c: {  	s17 =	sshll.u32 s0, $0xA;
	s2 =	sadd.s32 s3, s2  }
0x8d: {  	s2 =	sadd.s32 s2, s17  }
0x8e: {  	[smem:$0x3FC3] =	sst s2  }
0x8f: {  	_ = 	snop  }
0x90: {  	s2 =	sld [smem:$0x3FD0];
	(tm) =	ssettm $0x1  }
0x91: {  	s18 =	sld [smem:$0x3FFB];
	_ =	sdelay $0x3  }
0x92: {  	_ =	strace s18  }
0x93: {  	s3 =	sld [smem:$0x3FFC];
	_ =	sdelay $0x3  }
0x94: {  	_ =	strace s3  }
0x95: {  	s3 =	sld [smem:$0x3FFD];
	_ =	sdelay $0x3  }
0x96: {  	_ =	strace s3  }
0x97: {  	_ =	strace $0x8FFFFFFF  }
0x98: {  	s19 =	sld [smem:$0x3FDB];
	_ =	sdelay $0x1  }
0x99: {  	s4 =	simm.s32 $_scs_section_size  }
0x9a: {  	s5 =	simm.s32 $_size__tile_overlayer_lowered;
	s6 =	simm.s32 $_tile_overlayer_lowered  }
0x9b: {  	s22 =	simm.s32 $0x1BFF;
	s21 =	sshll.u32 s6, $0x1;
	s3 =	sadd.s32 s4, s19  }
0x9c: {  	s7 =	simm.s32 $0x0;
	s20 =	sshll.u32 s5, $0x1;
	s5 =	sadd.s32 s21, s3  }
0x9d: {  	[timem:s7], [sflag:s22] =	dma.local [hbm:s5], s20  }
0x9e: {  	_ =	swait.ge [sflag:s22], s20  }
0x9f: {  	s4 =	ssub.s32 $0x0, s20;
	[sflag:s22] =	ssyncset.done $0x0  }
0xa0: {  	[sflag:s22] =	ssyncadd.s32 s4;
	_ =	sdelay $0x1  }
0xa1: {  	s23 =	simm.s32 $0x1B8B  }
0xa2: {  	_ =	swait.ge [sflag:s23], $0x1  }
0xa3: {  	[sflag:s23] =	ssyncset.done $0x0  }
0xa4: {  	s25 =	simm.s32 $0x1B8E;
	s24 =	sld [smem:$0x3FFE];
	[sflag:s23] =	ssyncadd.s32 $0xFFFFFFFF  }
0xa5: {  	s26 =	simm.s32 $execute0_lowered;
	[smem:$0x3FD2] =	sst s25  }
0xa6: {  	s5 =	sshll.u32 s26, $0x1;
	_ =	strace $0x80000046;
	[dreg:$0x1] =	wrdreg $0xFFFFFFFF  }
0xa7: {  	s28 =	simm.s32 $_size_execute0_lowered;
	s3 =	sadd.s32 s3, s5;
	[dreg:$0x0] =	wrdreg $0x0  }
0xa8: {  	s5 =	sshll.u32 s28, $0x1;
	[dreg:$0x2] =	wrdreg s3  }
0xa9: {  	[dreg:$0x3] =	wrdreg s5  }
0xaa: {  	[dreg:$0x4] =	wrdreg $0xC0  }
0xab: {  	_ =	task [dreg:s7], $0x5FFFF  }
0xac: {  	[dreg:$0x1] =	wrdreg $0xFFFFFFFF  }
0xad: {  	[dreg:$0x0] =	wrdreg $0x60  }
0xae: {  	[dreg:$0x2] =	wrdreg s24  }
0xaf: {  	[dreg:$0x3] =	wrdreg s2  }
0xb0: {  	[dreg:$0x4] =	wrdreg $0x9  }
0xb1: {  	_ =	task.clear_ibuf [dreg:s7], $0x5FFFF;
	_ =	strace $0x90000046  }
0xb2: {  	s29 =	simm.s32 $0x9;
	_ =	strace $0x80000048  }
0xb3: {  	_ =	swait.ge [sflag:s29], $0x1  }
0xb4: {  	[sflag:s29] =	ssyncadd.s32 $0xFFFFFFFF  }
0xb5: {  	_ =	strace $0x90000048  }
0xb6: {  	_ =	sfence  }
0xb7: {  	s30 =	sld [smem:$0x0];
	_ =	sdelay $0x2  }
0xb8: {  	s31 =	sshll.u32 s1, $0xD;
	s1 =	sshrl.u32 s1, $0x2  }
0xb9: {  	s3 =	sand.u32 $0x4000, s31;
	s1 =	sadd.s32 s1, s30  }
0xba: {  	s0 =	sor.u32 s3, s0;
	s1 =	sshll.u32 s1, $0x11  }
0xbb: {  	s0 =	sor.u32 s1, s0  }
0xbc: {  	s0 =	sadd.s32 $0x8F2B, s0  }
0xbd: {  	[sflag:s0] =	ssyncadd.remote.s32 $0x1  }
0xbe: {  	_ =	sfence.sel $0xFFFF  }
0xbf: {  	[dreg:$0x0] =	wrdreg $0xFFFFFFFF;
	(pc) =	sbr.abs _section_cstart, $3  }
0xc0: {  	[dreg:$0x1] =	wrdreg $0xFFFFFFFF  }
0xc1: {  	_ =	task.clear_ibuf [dreg:s7], $0x2FFFF;
	_ =	strace $0x9FFFFFFF  }
0xc2: {  	(tm) =	ssettm $0x7FFFFFFF  }
0xc3: {  	_ =	shalt  }
tec
execute0_lowered:
.L_overlay_start_1:
0x0: {  	(tag) =	ssettag $0x1  }
0x1: {  	s5 =	rddreg [dreg:$0x0]  }
0x2: {  	s6 =	rddreg [dreg:$0x1]  }
0x3: {  	s0 =	rddreg [dreg:$0x2];
	s1 =	simm.s32 $0x0  }
0x4: {  	s4 =	srdreg.scid;
	s2 =	stileid.u32;
	s11 =	simm.s32 $0x0  }
0x5: {  	[smem:$0x7FF] =	sst s1;
	s3 =	sadd.s32 $0x2000, s5;
	s4 =	sand.u32 $0x1, s4  }
0x6: {  	s8 =	sshll.u32 s2, $0x7;
	_ =	strace $0x80000047;
	s7 =	ssub.s32 $0x2, s4  }
0x7: {  	s9 =	sshll.u32 s4, $0x6;
	s4 =	sadd.s32 $0x1000, s5;
	s10 =	sshrl.u32 s7, $0x1  }
0x8: {  	s5 =	sadd.s32 $0x3000, s5;
	s9 =	sor.u32 s9, s8;
	s7 =	ssub.s32 s7, s10  }
0x9: {  	s8 =	sshll.u32 s9, $0x7;
	v0 =	vmov s9;
	s9 =	simm.s32 $0x12000;
	s10 =	simm.s32 $0x16000  }
0xa: {  	v1 =	vimm.s32 $0x10000;
	s6 =	sadd.s32 s6, s8;
	s7 =	smax.u32 s7, $0x1;
	s8 =	simm.s32 $0x1  }
.LBB2_1:
0xb: {  	[tilespmem:s1], [sflag:$0x1] =	stream.linear.gather [hbm4b:s5+s1], $0x12000, $0x38;
	[tilespmem:$0x1A000] =	vst v63  }
0xc: {  	_ =	swait.ge [sflag:s8], $0x12000  }
0xd: {  	[sflag:s8] =	ssyncset.done $0x0  }
0xe: {  	p1 =	por $0x1, $0x1;
	s13 =	simm.s32 $0x0;
	[sflag:s8] =	ssyncadd.s32 $0xFFFEE000  }
.LBB2_2:
0xf: {  	s14 =	sadd.s32 s3, s13;
	s12 =	simm.s32 $0x0  }
0x10: {  	[tilespmem:s9], [sflag:$0x1] =	stream.linear.gather [hbm4b:s14+s12], $0x4000, $0x38;
	[tilespmem:$0x1A000] =	vst v63  }
0x11: {  	_ =	swait.ge [sflag:s8], $0x4000  }
0x12: {  	[sflag:s8] =	ssyncset.done $0x0  }
0x13: {  	s31 =	sadd.s32 s4, s13;
	[sflag:s8] =	ssyncadd.s32 $0xFFFFC000  }
0x14: {  	[tilespmem:s10], [sflag:$0x1] =	stream.linear.gather [hbm4b:s31+s12], $0x4000, $0x38;
	[tilespmem:$0x1A000] =	vst v63  }
0x15: {  	_ =	swait.ge [sflag:s8], $0x4000  }
0x16: {  	[sflag:s8] =	ssyncset.done $0x0  }
0x17: {  	p0 =	por p1, p1;
	[sflag:s8] =	ssyncadd.s32 $0xFFFFC000  }
.LBB2_3:
0x18: {  	s13 =	sshra.s32 s12, $0x2  }
0x19: {  	v2 =	vld [tilespmem:s13+$0x16000]  }
0x1a: {  	v3 =	vld [tilespmem:s13+$0x12000];
	_ =	sdelay $0x3  }
0x1b: {  	v2 =	vsub.s32 v2, v0  }
0x1c: {  	v4 =	vshll.u32 v3, $0x3;
	v2 =	vmin.u32 v2, $0x40  }
0x1d: {  	v5 =	vand.u32 $0x7F, v3;
	v4 =	vand.u32 $0x1C00, v4;
	v6 =	vshll.u32 v2, $0xA  }
0x1e: {  	v2 =	vshll.u32 v2, $0x7;
	v4 =	vor.u32 v5, v4;
	v6 =	vand.u32 $0x1E000, v6  }
0x1f: {  	v2 =	vand.u32 $0x380, v2;
	v4 =	vor.u32 v6, v4  }
0x20: {  	v2 =	vor.u32 v2, v4;
	_ =	sdelay $0x2  }
0x21: {  	vm0 =	vlt.s32 v3, $0x400  }
0x22: {  	v3 =	vsel vm0, $0x1, v1  }
0x23: {  	[tilespmem:v2+s1+$0x0] =	vst.idx.add.s32.msk $0xffff, v3  }
0x24: {  	v2 =	vld [tilespmem:s13+$0x16010]  }
0x25: {  	v3 =	vld [tilespmem:s13+$0x12010];
	_ =	sdelay $0x3  }
0x26: {  	v2 =	vsub.s32 v2, v0  }
0x27: {  	v43 =	vshll.u32 v3, $0x3;
	v2 =	vmin.u32 v2, $0x40  }
0x28: {  	v44 =	vand.u32 $0x7F, v3;
	v4 =	vand.u32 $0x1C00, v43;
	v45 =	vshll.u32 v2, $0xA  }
0x29: {  	v2 =	vshll.u32 v2, $0x7;
	v4 =	vor.u32 v44, v4;
	v6 =	vand.u32 $0x1E000, v45  }
0x2a: {  	v2 =	vand.u32 $0x380, v2;
	v4 =	vor.u32 v6, v4  }
0x2b: {  	v2 =	vor.u32 v2, v4;
	_ =	sdelay $0x2  }
0x2c: {  	vm9 =	vlt.s32 v3, $0x400  }
0x2d: {  	v3 =	vsel vm9, $0x1, v1  }
0x2e: {  	[tilespmem:v2+s1+$0x0] =	vst.idx.add.s32.msk $0xffff, v3  }
0x2f: {  	v2 =	vld [tilespmem:s13+$0x16020]  }
0x30: {  	v3 =	vld [tilespmem:s13+$0x12020];
	_ =	sdelay $0x3  }
0x31: {  	v2 =	vsub.s32 v2, v0  }
0x32: {  	v46 =	vshll.u32 v3, $0x3;
	v2 =	vmin.u32 v2, $0x40  }
0x33: {  	v47 =	vand.u32 $0x7F, v3;
	v4 =	vand.u32 $0x1C00, v46;
	v48 =	vshll.u32 v2, $0xA  }
0x34: {  	v2 =	vshll.u32 v2, $0x7;
	v4 =	vor.u32 v47, v4;
	v6 =	vand.u32 $0x1E000, v48  }
0x35: {  	v2 =	vand.u32 $0x380, v2;
	v4 =	vor.u32 v6, v4  }
0x36: {  	v2 =	vor.u32 v2, v4;
	_ =	sdelay $0x2  }
0x37: {  	vm10 =	vlt.s32 v3, $0x400  }
0x38: {  	v3 =	vsel vm10, $0x1, v1  }
0x39: {  	[tilespmem:v2+s1+$0x0] =	vst.idx.add.s32.msk $0xffff, v3  }
0x3a: {  	v2 =	vld [tilespmem:s13+$0x16030]  }
0x3b: {  	v3 =	vld [tilespmem:s13+$0x12030];
	_ =	sdelay $0x3  }
0x3c: {  	v2 =	vsub.s32 v2, v0  }
0x3d: {  	v49 =	vshll.u32 v3, $0x3;
	v2 =	vmin.u32 v2, $0x40  }
0x3e: {  	v50 =	vand.u32 $0x7F, v3;
	v4 =	vand.u32 $0x1C00, v49;
	v51 =	vshll.u32 v2, $0xA  }
0x3f: {  	v2 =	vshll.u32 v2, $0x7;
	v4 =	vor.u32 v50, v4;
	v6 =	vand.u32 $0x1E000, v51  }
0x40: {  	v2 =	vand.u32 $0x380, v2;
	v4 =	vor.u32 v6, v4  }
0x41: {  	v2 =	vor.u32 v2, v4;
	_ =	sdelay $0x2  }
0x42: {  	vm11 =	vlt.s32 v3, $0x400  }
0x43: {  	v3 =	vsel vm11, $0x1, v1  }
0x44: {  	[tilespmem:v2+s1+$0x0] =	vst.idx.add.s32.msk $0xffff, v3  }
0x45: {  	v2 =	vld [tilespmem:s13+$0x16040]  }
0x46: {  	v3 =	vld [tilespmem:s13+$0x12040];
	_ =	sdelay $0x3  }
0x47: {  	v2 =	vsub.s32 v2, v0  }
0x48: {  	v52 =	vshll.u32 v3, $0x3;
	v2 =	vmin.u32 v2, $0x40  }
0x49: {  	v53 =	vand.u32 $0x7F, v3;
	v4 =	vand.u32 $0x1C00, v52;
	v54 =	vshll.u32 v2, $0xA  }
0x4a: {  	v2 =	vshll.u32 v2, $0x7;
	v4 =	vor.u32 v53, v4;
	v6 =	vand.u32 $0x1E000, v54  }
0x4b: {  	v2 =	vand.u32 $0x380, v2;
	v4 =	vor.u32 v6, v4  }
0x4c: {  	v2 =	vor.u32 v2, v4;
	_ =	sdelay $0x2  }
0x4d: {  	vm12 =	vlt.s32 v3, $0x400  }
0x4e: {  	v3 =	vsel vm12, $0x1, v1  }
0x4f: {  	[tilespmem:v2+s1+$0x0] =	vst.idx.add.s32.msk $0xffff, v3  }
0x50: {  	v2 =	vld [tilespmem:s13+$0x16050]  }
0x51: {  	v3 =	vld [tilespmem:s13+$0x12050];
	_ =	sdelay $0x3  }
0x52: {  	v2 =	vsub.s32 v2, v0  }
0x53: {  	v55 =	vshll.u32 v3, $0x3;
	v2 =	vmin.u32 v2, $0x40  }
0x54: {  	v56 =	vand.u32 $0x7F, v3;
	v4 =	vand.u32 $0x1C00, v55;
	v57 =	vshll.u32 v2, $0xA  }
0x55: {  	v2 =	vshll.u32 v2, $0x7;
	v4 =	vor.u32 v56, v4;
	v6 =	vand.u32 $0x1E000, v57  }
0x56: {  	v2 =	vand.u32 $0x380, v2;
	v4 =	vor.u32 v6, v4  }
0x57: {  	v2 =	vor.u32 v2, v4;
	_ =	sdelay $0x2  }
0x58: {  	vm13 =	vlt.s32 v3, $0x400  }
0x59: {  	v3 =	vsel vm13, $0x1, v1  }
0x5a: {  	[tilespmem:v2+s1+$0x0] =	vst.idx.add.s32.msk $0xffff, v3  }
0x5b: {  	v2 =	vld [tilespmem:s13+$0x16060]  }
0x5c: {  	v3 =	vld [tilespmem:s13+$0x12060];
	_ =	sdelay $0x3  }
0x5d: {  	v2 =	vsub.s32 v2, v0  }
0x5e: {  	v58 =	vshll.u32 v3, $0x3;
	v2 =	vmin.u32 v2, $0x40  }
0x5f: {  	v59 =	vand.u32 $0x7F, v3;
	v4 =	vand.u32 $0x1C00, v58;
	v60 =	vshll.u32 v2, $0xA  }
0x60: {  	v2 =	vshll.u32 v2, $0x7;
	v4 =	vor.u32 v59, v4;
	v6 =	vand.u32 $0x1E000, v60  }
0x61: {  	v2 =	vand.u32 $0x380, v2;
	v4 =	vor.u32 v6, v4  }
0x62: {  	v2 =	vor.u32 v2, v4;
	_ =	sdelay $0x2  }
0x63: {  	vm14 =	vlt.s32 v3, $0x400  }
0x64: {  	v3 =	vsel vm14, $0x1, v1  }
0x65: {  	[tilespmem:v2+s1+$0x0] =	vst.idx.add.s32.msk $0xffff, v3  }
0x66: {  	v2 =	vld [tilespmem:s13+$0x16070]  }
0x67: {  	v3 =	vld [tilespmem:s13+$0x12070];
	_ =	sdelay $0x3  }
0x68: {  	v2 =	vsub.s32 v2, v0  }
0x69: {  	v61 =	vshll.u32 v3, $0x3;
	v2 =	vmin.u32 v2, $0x40  }
0x6a: {  	v62 =	vand.u32 $0x7F, v3;
	v4 =	vand.u32 $0x1C00, v61;
	v63 =	vshll.u32 v2, $0xA  }
0x6b: {  	v2 =	vshll.u32 v2, $0x7;
	v4 =	vor.u32 v62, v4;
	v6 =	vand.u32 $0x1E000, v63  }
0x6c: {  	v2 =	vand.u32 $0x380, v2;
	v4 =	vor.u32 v6, v4  }
0x6d: {  	p1 =	sne.s32 s12, $0xFE00;
	v2 =	vor.u32 v2, v4  }
.Ltmp0:
0x6e: {  	_ = 	snop;
	(pc) =	sbr.rel @p1 .LBB2_3-.Ltmp0, $4  }
0x6f: {  	_ = 	snop  }
0x70: {  	vm15 =	vlt.s32 v3, $0x400  }
0x71: {  	v3 =	vsel vm15, $0x1, v1  }
0x72: {  	s12 =	sadd.s32 $0x200, s12;
	[tilespmem:v2+s1+$0x0] =	vst.idx.add.s32.msk $0xffff, v3  }
.Ltmp1:
0x73: {  	(pc) =	sbr.rel @p0 .LBB2_2-.Ltmp1, $2  }
0x74: {  	_ =	sdelay $0x2  }
0x75: {  	s13 =	simm.s32 $0x800;
	p1 =	por $0x0, $0x0  }
0x76: {  	s11 =	sadd.s32 $0x1, s11  }
0x77: {  	p0 =	sne.s32 s11, s7  }
.Ltmp2:
0x78: {  	_ = 	snop;
	(pc) =	sbr.rel @p0 .LBB2_1-.Ltmp2, $4  }
0x79: {  	[hbm4b:s6+s1] =	stream.linear.scatter [tilespmem:s1], [sflag:$0x1], $0x10000, $0x38;
	[tilespmem:$0x1A000] =	vst v63  }
0x7a: {  	_ =	swait.ge [sflag:s8], $0x10000  }
0x7b: {  	[sflag:s8] =	ssyncset.done $0x0  }
0x7c: {  	[sflag:s8] =	ssyncadd.s32 $0xFFFF0000  }
0x7d: {  	_ =	sfence.sel $0x180000  }
0x7e: {  	[bflag:$0x0] =	sbarrier.arrive $0xFFFF  }
0x7f: {  	p0 =	sne.s32 s2, $0x0;
	_ =	strace $0x90000047  }
0x80: {  	s0 =	sadd.s32 @!p0 $0x100000, s0;
	[bflag:$0x2] =	sbarrier.arrive $0xFFFF  }
0x81: {  	[sflag:s0] =	ssyncadd.tile.s32 @!p0 $0x1;
	_ =	shalt  }
.Lfunc_end2:
_tile_overlayer_lowered:
.L_overlay_start_2:
0x82: {  	(tag) =	ssettag $0x2  }
0x83: {  	s0 =	rddreg [dreg:$0x0];
	s2 =	stileid.u32  }
0x84: {  	s1 =	rddreg [dreg:$0x1];
	p0 =	sne.s32 s2, $0x0  }
0x85: {  	s3 =	rddreg [dreg:$0x2];
	[bflag:$0x3] =	sbarrier.arrive $0xFFFF;
	s2 =	simm.s32 @!p0 $0x1C01  }
0x86: {  	[timem:s3], [sflag:s2] =	dma.local @!p0 [hbm:s0], s1  }
0x87: {  	s0 =	simm.s32 @!p0 $0x1  }
0x88: {  	_ =	swait.ge @!p0 [sflag:s0], s1  }
0x89: {  	s1 =	ssub.s32 @!p0 $0x0, s1;
	[sflag:s0] =	ssyncset.done @!p0 $0x0  }
0x8a: {  	[sflag:s0] =	ssyncadd.s32 @!p0 s1  }
0x8b: {  	[bflag:$0x3] =	sbarrier.arrive $0xFFFF  }
0x8c: {  	_ =	shalt  }

</sc_bundles>
